<compile_context>
chip_gen: v7x
topology: tpu7x:2x2x1
jax: 0.10.2.dev20260603
libtpu: 0.0.44.dev20260713+nightly
codegen_flags: <defaults>
</compile_context>

<pallas_src>
import functools

import jax
import jax.numpy as jnp
from jax import lax
from jax.experimental import pallas as pl
from jax.experimental.pallas import tpu as pltpu
from jax.experimental.pallas import tpu_sc as plsc

N = 10000
NP = 10240
E = 320000
D_IN = 128
H = 64
D_OUT = 128

NC = 2
NS = 16
NW = NC * NS
CH = 128
CHN = E // CH
WCH = CHN // NW
XTRA = CHN - WCH * NW

RPS = NP // NS

_mesh = plsc.VectorSubcoreMesh(core_axis_name="c", subcore_axis_name="s")
_sc_params = pltpu.CompilerParams(use_tc_tiling_on_sc=False)



def _chunk_range(cid, sid):
    wid = sid * NC + cid
    base = wid * WCH + jnp.minimum(wid, XTRA)
    extra = wid < XTRA
    return base, extra


def _deg_body(dst_hbm, ones_hbm, zeros_hbm, out_hbm, idx_v, ones_v, acc):
    cid = lax.axis_index("c")
    sid = lax.axis_index("s")
    base, extra = _chunk_range(cid, sid)
    my = pl.ds(sid * RPS, RPS)
    pltpu.sync_copy(zeros_hbm.at[my], acc.at[my])
    pltpu.sync_copy(ones_hbm, ones_v)
    pltpu.sync_copy(dst_hbm.at[pl.ds(base, WCH)], idx_v.at[pl.ds(0, WCH)])

    @pl.when(extra)
    def _():
        pltpu.sync_copy(dst_hbm.at[pl.ds(base + WCH, 1)],
                        idx_v.at[pl.ds(WCH, 1)])

    plsc.subcore_barrier()

    @pl.loop(0, WCH)
    def _(ci):
        pltpu.sync_copy(ones_v, acc.at[idx_v.at[ci]], add=True)

    @pl.when(extra)
    def _():
        pltpu.sync_copy(ones_v, acc.at[idx_v.at[WCH]], add=True)

    plsc.subcore_barrier()
    pltpu.sync_copy(acc.at[my], out_hbm.at[cid, my])


@jax.jit
def _deg_partials(dst3, ones16, zeros16):
    k = pl.kernel(
        _deg_body,
        out_type=jax.ShapeDtypeStruct((NC, NP, 16), jnp.float32),
        mesh=_mesh,
        scratch_types=[
            pltpu.VMEM((WCH + 1, CH), jnp.int32),
            pltpu.VMEM((CH, 16), jnp.float32),
            pltpu.VMEM_SHARED((NP, 16), jnp.float32),
        ],
        compiler_params=_sc_params,
    )
    return k(dst3, ones16, zeros16)


def _mp_body(g_hbm, src_hbm, dst_hbm, zeros_hbm, out_hbm,
             sidx_v, didx_v, rows, acc, semg):
    cid = lax.axis_index("c")
    sid = lax.axis_index("s")
    base, extra = _chunk_range(cid, sid)
    my = pl.ds(sid * RPS, RPS)
    pltpu.sync_copy(zeros_hbm.at[my], acc.at[my])
    pltpu.sync_copy(src_hbm.at[pl.ds(base, WCH)], sidx_v.at[pl.ds(0, WCH)])
    pltpu.sync_copy(dst_hbm.at[pl.ds(base, WCH)], didx_v.at[pl.ds(0, WCH)])

    @pl.when(extra)
    def _():
        pltpu.sync_copy(src_hbm.at[pl.ds(base + WCH, 1)],
                        sidx_v.at[pl.ds(WCH, 1)])
        pltpu.sync_copy(dst_hbm.at[pl.ds(base + WCH, 1)],
                        didx_v.at[pl.ds(WCH, 1)])

    plsc.subcore_barrier()

    for j in range(6):
        pltpu.async_copy(g_hbm.at[sidx_v.at[j]], rows[j], semg[j])

    @pl.loop(0, WCH - 6, step=6)
    def _(c):
        for j in range(6):
            pltpu.make_async_copy(g_hbm.at[sidx_v.at[c + j]],
                                  rows[j], semg[j]).wait()
            pltpu.sync_copy(rows[j], acc.at[didx_v.at[c + j]], add=True)
            pltpu.async_copy(g_hbm.at[sidx_v.at[c + 6 + j]], rows[j], semg[j])

    for j in range(6):
        pltpu.make_async_copy(g_hbm.at[sidx_v.at[WCH - 6 + j]],
                              rows[j], semg[j]).wait()
        pltpu.sync_copy(rows[j], acc.at[didx_v.at[WCH - 6 + j]], add=True)

    @pl.when(extra)
    def _():
        pltpu.async_copy(g_hbm.at[sidx_v.at[WCH]], rows[0], semg[0]).wait()
        pltpu.sync_copy(rows[0], acc.at[didx_v.at[WCH]], add=True)

    plsc.subcore_barrier()
    pltpu.sync_copy(acc.at[my], out_hbm.at[cid, my])


def _make_mp(h):
    @jax.jit
    def mp(g, src2, dst2, zeros):
        k = pl.kernel(
            _mp_body,
            out_type=jax.ShapeDtypeStruct((NC, NP, h), jnp.float32),
            mesh=_mesh,
            scratch_types=[
                pltpu.VMEM((WCH + 1, CH), jnp.int32),
                pltpu.VMEM((WCH + 1, CH), jnp.int32),
                [pltpu.VMEM((CH, h), jnp.float32) for _ in range(6)],
                pltpu.VMEM_SHARED((NP, h), jnp.float32),
                [pltpu.SemaphoreType.DMA for _ in range(6)],
            ],
            compiler_params=_sc_params,
        )
        return k(g, src2, dst2, zeros)
    return mp


_mp64 = _make_mp(H)



_R = 2048


def _tc1a_body(x_ref, w_ref, g_ref):
    g_ref[...] = jnp.dot(x_ref[...], w_ref[...],
                         preferred_element_type=jnp.float32)


@jax.jit
def _tc1a(x, W1):
    return pl.pallas_call(
        _tc1a_body,
        grid=(NP // _R,),
        in_specs=[
            pl.BlockSpec((_R, D_IN), lambda i: (i, 0)),
            pl.BlockSpec((D_IN, H), lambda i: (0, 0)),
        ],
        out_specs=pl.BlockSpec((_R, H), lambda i: (i, 0)),
        out_shape=jax.ShapeDtypeStruct((NP, H), jnp.float32),
    )(x, W1)


def _tc1b_body(p_ref, graw_ref, g_ref, dis_ref):
    p = p_ref[...]
    deg = p[0, :, 0:1] + p[1, :, 0:1] + 1.0
    dis = lax.rsqrt(deg)
    g_ref[...] = graw_ref[...] * dis
    dis_ref[...] = dis


@jax.jit
def _tc1b(degp, graw):
    return pl.pallas_call(
        _tc1b_body,
        grid=(NP // _R,),
        in_specs=[
            pl.BlockSpec((NC, _R, 16), lambda i: (0, i, 0)),
            pl.BlockSpec((_R, H), lambda i: (i, 0)),
        ],
        out_specs=[
            pl.BlockSpec((_R, H), lambda i: (i, 0)),
            pl.BlockSpec((_R, 1), lambda i: (i, 0)),
        ],
        out_shape=[
            jax.ShapeDtypeStruct((NP, H), jnp.float32),
            jax.ShapeDtypeStruct((NP, 1), jnp.float32),
        ],
    )(degp, graw)


def _tc_mid_body(p_ref, g_ref, dis_ref, b_ref, w_ref, out_ref):
    p = p_ref[...]
    dis = dis_ref[...]
    h = jnp.maximum(dis * (p[0] + p[1] + g_ref[...]) + b_ref[...], 0.0)
    out_ref[...] = jnp.dot(h, w_ref[...],
                           preferred_element_type=jnp.float32) * dis


def _make_tc_mid(h_in, h_out):
    @jax.jit
    def tc_mid(partials, g, dis, b2d, W):
        return pl.pallas_call(
            _tc_mid_body,
            grid=(NP // _R,),
            in_specs=[
                pl.BlockSpec((NC, _R, h_in), lambda i: (0, i, 0)),
                pl.BlockSpec((_R, h_in), lambda i: (i, 0)),
                pl.BlockSpec((_R, 1), lambda i: (i, 0)),
                pl.BlockSpec((1, h_in), lambda i: (0, 0)),
                pl.BlockSpec((h_in, h_out), lambda i: (0, 0)),
            ],
            out_specs=pl.BlockSpec((_R, h_out), lambda i: (i, 0)),
            out_shape=jax.ShapeDtypeStruct((NP, h_out), jnp.float32),
        )(partials, g, dis, b2d, W)
    return tc_mid


_tc2 = _make_tc_mid(H, H)


def _tc3_body(p_ref, g_ref, dis_ref, b_ref, g3_ref):
    p = p_ref[...]
    dis = dis_ref[...]
    g3_ref[...] = jnp.maximum(dis * (p[0] + p[1] + g_ref[...]) + b_ref[...],
                              0.0) * dis


@jax.jit
def _tc3(partials, g, dis, b2d):
    return pl.pallas_call(
        _tc3_body,
        grid=(NP // _R,),
        in_specs=[
            pl.BlockSpec((NC, _R, H), lambda i: (0, i, 0)),
            pl.BlockSpec((_R, H), lambda i: (i, 0)),
            pl.BlockSpec((_R, 1), lambda i: (i, 0)),
            pl.BlockSpec((1, H), lambda i: (0, 0)),
        ],
        out_specs=pl.BlockSpec((_R, H), lambda i: (i, 0)),
        out_shape=jax.ShapeDtypeStruct((NP, H), jnp.float32),
    )(partials, g, dis, b2d)


def _tc4_body(p_ref, g_ref, dis_ref, w_ref, b_ref, out_ref):
    p = p_ref[...]
    agg = dis_ref[...] * (p[0] + p[1] + g_ref[...])
    out_ref[...] = jnp.dot(agg, w_ref[...],
                           preferred_element_type=jnp.float32) + b_ref[...]


_R4 = 2000


@jax.jit
def _tc4(partials, g, dis, W3, b2d):
    return pl.pallas_call(
        _tc4_body,
        grid=(N // _R4,),
        in_specs=[
            pl.BlockSpec((NC, _R4, H), lambda i: (0, i, 0)),
            pl.BlockSpec((_R4, H), lambda i: (i, 0)),
            pl.BlockSpec((_R4, 1), lambda i: (i, 0)),
            pl.BlockSpec((H, D_OUT), lambda i: (0, 0)),
            pl.BlockSpec((1, D_OUT), lambda i: (0, 0)),
        ],
        out_specs=pl.BlockSpec((_R4, D_OUT), lambda i: (i, 0)),
        out_shape=jax.ShapeDtypeStruct((N, D_OUT), jnp.float32),
    )(partials, g, dis, W3, b2d)



def kernel(x, edge_index, W1, b1, W2, b2, W3, b3):
    src2 = edge_index[0].reshape(CHN, CH)
    dst2 = edge_index[1].reshape(CHN, CH)
    ones16 = jnp.ones((CH, 16), jnp.float32)
    z16 = jnp.zeros((NP, 16), jnp.float32)
    z64 = jnp.zeros((NP, H), jnp.float32)
    xp = jnp.pad(x, ((0, NP - N), (0, 0)))

    degp = _deg_partials(dst2, ones16, z16)
    g1raw = _tc1a(xp, W1)
    g1, dis = _tc1b(degp, g1raw)
    p1 = _mp64(g1, src2, dst2, z64)
    g2 = _tc2(p1, g1, dis, b1.reshape(1, H), W2)
    p2 = _mp64(g2, src2, dst2, z64)
    g3 = _tc3(p2, g2, dis, b2.reshape(1, H))
    p3 = _mp64(g3, src2, dst2, z64)
    return _tc4(p3, g3, dis, W3, b3.reshape(1, D_OUT))

# --- scband reference (transcript-rebuilt; emitter-appended) ---
"""Pipeline reference for scband-flexible-gnn-24558622998884 (READ-ONLY COPY).

The authoritative reference and input builder live on the scoring server;
editing this copy changes nothing except your own understanding.
"""

import jax, jax.numpy as jnp
import numpy as np

N = 10000
E = 320000
D_IN = 128
H = 64
D_OUT = 128


def setup_inputs(seed: int = 0) -> dict:
    key = jax.random.key(seed)
    ks = jax.random.split(key, 9)
    x = jax.random.normal(ks[0], (N, D_IN), dtype=jnp.float32)
    edge_index = jax.random.randint(ks[1], (2, E), 0, N, dtype=jnp.int32)
    W1 = jax.random.normal(ks[2], (D_IN, H), dtype=jnp.float32) * (1.0 / np.sqrt(D_IN))
    b1 = jnp.zeros((H,), dtype=jnp.float32)
    W2 = jax.random.normal(ks[3], (H, H), dtype=jnp.float32) * (1.0 / np.sqrt(H))
    b2 = jnp.zeros((H,), dtype=jnp.float32)
    W3 = jax.random.normal(ks[4], (H, D_OUT), dtype=jnp.float32) * (1.0 / np.sqrt(H))
    b3 = jnp.zeros((D_OUT,), dtype=jnp.float32)
    return {"x": x, "edge_index": edge_index, "W1": W1, "b1": b1, "W2": W2, "b2": b2, "W3": W3, "b3": b3}


def _gcn_conv(x, edge_index, W, b):
    n = x.shape[0]
    loop = jnp.arange(n, dtype=edge_index.dtype)
    src = jnp.concatenate([edge_index[0], loop])
    dst = jnp.concatenate([edge_index[1], loop])
    # symmetric normalization deg^{-1/2} (GCNConv default, with added self-loops)
    ones = jnp.ones(src.shape[0], dtype=x.dtype)
    deg = jnp.zeros((n,), dtype=x.dtype).at[dst].add(ones)
    deg_inv_sqrt = jnp.where(deg > 0, jax.lax.rsqrt(deg), 0.0)
    norm = deg_inv_sqrt[src] * deg_inv_sqrt[dst]
    h = x @ W
    msgs = h[src] * norm[:, None]
    out = jax.ops.segment_sum(msgs, dst, num_segments=n)
    return out + b


def reference(x, edge_index, W1, b1, W2, b2, W3, b3):
    h = _gcn_conv(x, edge_index, W1, b1)
    h = jax.nn.relu(h)
    h = _gcn_conv(h, edge_index, W2, b2)
    h = jax.nn.relu(h)
    out = _gcn_conv(h, edge_index, W3, b3)
    return out

if __name__ == "__main__":
    import jax
    _d = setup_inputs()
    print(jax.jit(kernel)(*tuple(_d.values())))

</pallas_src>

<mosaic_0001>
#map = affine_map<(d0, d1) -> (0, 0)>
#map1 = affine_map<(d0, d1) -> (0, 0, 0)>
module attributes {stable_mosaic.version = 14 : i64} {
  func.func @_deg_body(%arg0: i32, %arg1: i32, %arg2: memref<2500x128xi32, #tpu.memory_space<hbm>>, %arg3: memref<128x16xf32, #tpu.memory_space<hbm>>, %arg4: memref<10240x16xf32, #tpu.memory_space<hbm>>, %arg5: memref<2x10240x16xf32, #tpu.memory_space<hbm>>, %arg6: memref<79x128xi32, #tpu.memory_space<vmem>>, %arg7: memref<128x16xf32, #tpu.memory_space<vmem>>, %arg8: memref<10240x16xf32, #tpu.memory_space<vmem_shared>>) attributes {dimension_semantics = [#tpu.dimension_semantics<core_parallel>, #tpu.dimension_semantics<subcore_parallel>], iteration_bounds = array<i64: 2, 16>, scalar_prefetch = 0 : i64, scratch_operands = 3 : i64, tpu.core_type = #tpu.core_type<sc_vector_subcore>, window_params = [{transform_indices = #map}, {transform_indices = #map}, {transform_indices = #map}, {transform_indices = #map1}]} {
    %mul3A = arith.constant 2 : i32
    %mul3A_0 = arith.muli %arg1, %mul3A : i32
    %add3A = arith.addi %mul3A_0, %arg0 : i32
    %mul3A_1 = arith.constant 78 : i32
    %mul3A_2 = arith.muli %add3A, %mul3A_1 : i32
    %min3A = arith.constant 4 : i32
    %min3A_3 = arith.minsi %add3A, %min3A : i32
    %add3A_4 = arith.addi %mul3A_2, %min3A_3 : i32
    %lt3A = arith.constant 4 : i32
    %lt3A_5 = arith.cmpi slt, %add3A, %lt3A : i32
    %mul3A_6 = arith.constant 640 : i32
    %mul3A_7 = arith.muli %arg1, %mul3A_6 : i32
    "tpu.region"() ({
      %run_scoped3A = tpu.sem_alloc : memref<!tpu.dma_semaphore, #tpu.memory_space<semaphore_mem>>
      %dma_start3A = arith.constant 0 : i32
      %dma_start3A_17 = tpu.memref_slice %arg8[%mul3A_7, %dma_start3A] : memref<10240x16xf32, #tpu.memory_space<vmem_shared>> -> memref<640x16xf32, #tpu.memory_space<vmem_shared>>
      %dma_start3A_18 = arith.constant 0 : i32
      %dma_start3A_19 = tpu.memref_slice %arg4[%mul3A_7, %dma_start3A_18] : memref<10240x16xf32, #tpu.memory_space<hbm>> -> memref<640x16xf32, #tpu.memory_space<hbm>>
      tpu.enqueue_dma source(%dma_start3A_19 : memref<640x16xf32, #tpu.memory_space<hbm>>) target(%dma_start3A_17 : memref<640x16xf32, #tpu.memory_space<vmem_shared>>) target_semaphore(%run_scoped3A : memref<!tpu.dma_semaphore, #tpu.memory_space<semaphore_mem>>)
      %dma_wait3A = arith.constant 0 : i32
      %dma_wait3A_20 = tpu.memref_slice %arg8[%mul3A_7, %dma_wait3A] : memref<10240x16xf32, #tpu.memory_space<vmem_shared>> -> memref<640x16xf32, #tpu.memory_space<vmem_shared>>
      %dma_wait3A_21 = arith.constant 0 : i32
      %dma_wait3A_22 = tpu.memref_slice %arg4[%mul3A_7, %dma_wait3A_21] : memref<10240x16xf32, #tpu.memory_space<hbm>> -> memref<640x16xf32, #tpu.memory_space<hbm>>
      tpu.wait_dma2 semaphore(%run_scoped3A : memref<!tpu.dma_semaphore, #tpu.memory_space<semaphore_mem>>) src(%dma_wait3A_22 : memref<640x16xf32, #tpu.memory_space<hbm>>) dst(%dma_wait3A_20 : memref<640x16xf32, #tpu.memory_space<vmem_shared>>)
      tpu.yield
    }) : () -> ()
    "tpu.region"() ({
      %run_scoped3A = tpu.sem_alloc : memref<!tpu.dma_semaphore, #tpu.memory_space<semaphore_mem>>
      tpu.enqueue_dma source(%arg3 : memref<128x16xf32, #tpu.memory_space<hbm>>) target(%arg7 : memref<128x16xf32, #tpu.memory_space<vmem>>) target_semaphore(%run_scoped3A : memref<!tpu.dma_semaphore, #tpu.memory_space<semaphore_mem>>)
      tpu.wait_dma2 semaphore(%run_scoped3A : memref<!tpu.dma_semaphore, #tpu.memory_space<semaphore_mem>>) src(%arg3 : memref<128x16xf32, #tpu.memory_space<hbm>>) dst(%arg7 : memref<128x16xf32, #tpu.memory_space<vmem>>)
      tpu.yield
    }) : () -> ()
    "tpu.region"() ({
      %run_scoped3A = tpu.sem_alloc : memref<!tpu.dma_semaphore, #tpu.memory_space<semaphore_mem>>
      %dma_start3A = arith.constant 0 : i32
      %dma_start3A_17 = arith.constant 0 : i32
      %dma_start3A_18 = tpu.memref_slice %arg6[%dma_start3A, %dma_start3A_17] : memref<79x128xi32, #tpu.memory_space<vmem>> -> memref<78x128xi32, #tpu.memory_space<vmem>>
      %dma_start3A_19 = arith.constant 0 : i32
      %dma_start3A_20 = tpu.memref_slice %arg2[%add3A_4, %dma_start3A_19] : memref<2500x128xi32, #tpu.memory_space<hbm>> -> memref<78x128xi32, #tpu.memory_space<hbm>>
      %dma_start3A_21 = arith.constant 0 : i32
      %dma_start3A_22 = arith.constant 0 : i32
      %dma_start3A_23 = tpu.memref_slice %arg6[%dma_start3A_21, %dma_start3A_22] : memref<79x128xi32, #tpu.memory_space<vmem>> -> memref<78x128xi32, #tpu.memory_space<vmem>>
      %dma_start3A_24 = arith.constant 0 : i32
      %dma_start3A_25 = tpu.memref_slice %arg2[%add3A_4, %dma_start3A_24] : memref<2500x128xi32, #tpu.memory_space<hbm>> -> memref<78x128xi32, #tpu.memory_space<hbm>>
      tpu.enqueue_dma source(%dma_start3A_25 : memref<78x128xi32, #tpu.memory_space<hbm>>) target(%dma_start3A_23 : memref<78x128xi32, #tpu.memory_space<vmem>>) target_semaphore(%run_scoped3A : memref<!tpu.dma_semaphore, #tpu.memory_space<semaphore_mem>>)
      %dma_wait3A = arith.constant 0 : i32
      %dma_wait3A_26 = arith.constant 0 : i32
      %dma_wait3A_27 = tpu.memref_slice %arg6[%dma_wait3A, %dma_wait3A_26] : memref<79x128xi32, #tpu.memory_space<vmem>> -> memref<78x128xi32, #tpu.memory_space<vmem>>
      %dma_wait3A_28 = arith.constant 0 : i32
      %dma_wait3A_29 = tpu.memref_slice %arg2[%add3A_4, %dma_wait3A_28] : memref<2500x128xi32, #tpu.memory_space<hbm>> -> memref<78x128xi32, #tpu.memory_space<hbm>>
      %dma_wait3A_30 = arith.constant 0 : i32
      %dma_wait3A_31 = arith.constant 0 : i32
      %dma_wait3A_32 = tpu.memref_slice %arg6[%dma_wait3A_30, %dma_wait3A_31] : memref<79x128xi32, #tpu.memory_space<vmem>> -> memref<78x128xi32, #tpu.memory_space<vmem>>
      %dma_wait3A_33 = arith.constant 0 : i32
      %dma_wait3A_34 = tpu.memref_slice %arg2[%add3A_4, %dma_wait3A_33] : memref<2500x128xi32, #tpu.memory_space<hbm>> -> memref<78x128xi32, #tpu.memory_space<hbm>>
      tpu.wait_dma2 semaphore(%run_scoped3A : memref<!tpu.dma_semaphore, #tpu.memory_space<semaphore_mem>>) src(%dma_wait3A_34 : memref<78x128xi32, #tpu.memory_space<hbm>>) dst(%dma_wait3A_32 : memref<78x128xi32, #tpu.memory_space<vmem>>)
      tpu.yield
    }) : () -> ()
    %convert_element_type3A = arith.extui %lt3A_5 : i1 to i32
    %cond3A = arith.constant 0 : i32
    %cond3A_8 = arith.cmpi ne, %convert_element_type3A, %cond3A : i32
    scf.if %cond3A_8 {
      %add3A_17 = arith.constant 78 : i32
      %add3A_18 = arith.addi %add3A_4, %add3A_17 : i32
      "tpu.region"() ({
        %run_scoped3A = tpu.sem_alloc : memref<!tpu.dma_semaphore, #tpu.memory_space<semaphore_mem>>
        %dma_start3A = arith.constant 78 : i32
        %dma_start3A_19 = arith.constant 0 : i32
        %dma_start3A_20 = tpu.memref_slice %arg6[%dma_start3A, %dma_start3A_19] : memref<79x128xi32, #tpu.memory_space<vmem>> -> memref<1x128xi32, #tpu.memory_space<vmem>>
        %dma_start3A_21 = arith.constant 0 : i32
        %dma_start3A_22 = tpu.memref_slice %arg2[%add3A_18, %dma_start3A_21] : memref<2500x128xi32, #tpu.memory_space<hbm>> -> memref<1x128xi32, #tpu.memory_space<hbm>>
        %dma_start3A_23 = arith.constant 78 : i32
        %dma_start3A_24 = arith.constant 0 : i32
        %dma_start3A_25 = tpu.memref_slice %arg6[%dma_start3A_23, %dma_start3A_24] : memref<79x128xi32, #tpu.memory_space<vmem>> -> memref<1x128xi32, #tpu.memory_space<vmem>>
        %dma_start3A_26 = arith.constant 0 : i32
        %dma_start3A_27 = tpu.memref_slice %arg2[%add3A_18, %dma_start3A_26] : memref<2500x128xi32, #tpu.memory_space<hbm>> -> memref<1x128xi32, #tpu.memory_space<hbm>>
        tpu.enqueue_dma source(%dma_start3A_27 : memref<1x128xi32, #tpu.memory_space<hbm>>) target(%dma_start3A_25 : memref<1x128xi32, #tpu.memory_space<vmem>>) target_semaphore(%run_scoped3A : memref<!tpu.dma_semaphore, #tpu.memory_space<semaphore_mem>>)
        %dma_wait3A = arith.constant 78 : i32
        %dma_wait3A_28 = arith.constant 0 : i32
        %dma_wait3A_29 = tpu.memref_slice %arg6[%dma_wait3A, %dma_wait3A_28] : memref<79x128xi32, #tpu.memory_space<vmem>> -> memref<1x128xi32, #tpu.memory_space<vmem>>
        %dma_wait3A_30 = arith.constant 0 : i32
        %dma_wait3A_31 = tpu.memref_slice %arg2[%add3A_18, %dma_wait3A_30] : memref<2500x128xi32, #tpu.memory_space<hbm>> -> memref<1x128xi32, #tpu.memory_space<hbm>>
        %dma_wait3A_32 = arith.constant 78 : i32
        %dma_wait3A_33 = arith.constant 0 : i32
        %dma_wait3A_34 = tpu.memref_slice %arg6[%dma_wait3A_32, %dma_wait3A_33] : memref<79x128xi32, #tpu.memory_space<vmem>> -> memref<1x128xi32, #tpu.memory_space<vmem>>
        %dma_wait3A_35 = arith.constant 0 : i32
        %dma_wait3A_36 = tpu.memref_slice %arg2[%add3A_18, %dma_wait3A_35] : memref<2500x128xi32, #tpu.memory_space<hbm>> -> memref<1x128xi32, #tpu.memory_space<hbm>>
        tpu.wait_dma2 semaphore(%run_scoped3A : memref<!tpu.dma_semaphore, #tpu.memory_space<semaphore_mem>>) src(%dma_wait3A_36 : memref<1x128xi32, #tpu.memory_space<hbm>>) dst(%dma_wait3A_34 : memref<1x128xi32, #tpu.memory_space<vmem>>)
        tpu.yield
      }) : () -> ()
    } else {
    }
    %barrier3A = arith.constant 0 : index
    tpu.barrier barrier_id(%barrier3A)
    %scan3A = arith.constant 0 : i32
    %scan3A_9 = arith.constant 78 : i32
    %scan3A_10 = arith.addi %scan3A, %scan3A_9 : i32
    %scan3A_11 = arith.constant 1 : i32
    scf.for %scan3A_17 = %scan3A to %scan3A_10 step %scan3A_11  : i32 {
      %mul3A_18 = arith.constant 1 : i32
      %mul3A_19 = arith.muli %scan3A_17, %mul3A_18 : i32
      %add3A_20 = arith.constant 0 : i32
      %add3A_21 = arith.addi %add3A_20, %mul3A_19 : i32
      "tpu.region"() ({
        %run_scoped3A = tpu.sem_alloc : memref<!tpu.dma_semaphore, #tpu.memory_space<semaphore_mem>>
        %dma_start3A = arith.constant 0 : i32
        %dma_start3A_22 = tpu.memref_slice %arg6[%add3A_21, %dma_start3A] : memref<79x128xi32, #tpu.memory_space<vmem>> -> memref<1x128xi32, #tpu.memory_space<vmem>>
        %dma_start3A_23 = tpu.memref_squeeze %dma_start3A_22 : memref<1x128xi32, #tpu.memory_space<vmem>> -> memref<128xi32, #tpu.memory_space<vmem>>
        %dma_start3A_24 = arith.constant 0 : i32
        %dma_start3A_25 = arith.constant 0 : i32
        %dma_start3A_26 = tpu.memref_slice %arg8[%dma_start3A_24, %dma_start3A_25] : memref<10240x16xf32, #tpu.memory_space<vmem_shared>> -> memref<10240x16xf32, #tpu.memory_space<vmem_shared>>
        tpu.enqueue_indirect_dma source(%arg7 : memref<128x16xf32, #tpu.memory_space<vmem>>) target(%dma_start3A_26 : memref<10240x16xf32, #tpu.memory_space<vmem_shared>>) offsets(%dma_start3A_23 : memref<128xi32, #tpu.memory_space<vmem>>) semaphore(%run_scoped3A : memref<!tpu.dma_semaphore, #tpu.memory_space<semaphore_mem>>) {add = true}
        %dma_wait3A = arith.constant 0 : i32
        %dma_wait3A_27 = tpu.memref_slice %arg6[%add3A_21, %dma_wait3A] : memref<79x128xi32, #tpu.memory_space<vmem>> -> memref<1x128xi32, #tpu.memory_space<vmem>>
        %dma_wait3A_28 = tpu.memref_squeeze %dma_wait3A_27 : memref<1x128xi32, #tpu.memory_space<vmem>> -> memref<128xi32, #tpu.memory_space<vmem>>
        %dma_wait3A_29 = arith.constant 0 : i32
        %dma_wait3A_30 = arith.constant 0 : i32
        %dma_wait3A_31 = tpu.memref_slice %arg8[%dma_wait3A_29, %dma_wait3A_30] : memref<10240x16xf32, #tpu.memory_space<vmem_shared>> -> memref<10240x16xf32, #tpu.memory_space<vmem_shared>>
        tpu.wait_indirect_dma semaphore(%run_scoped3A : memref<!tpu.dma_semaphore, #tpu.memory_space<semaphore_mem>>) src(%arg7 : memref<128x16xf32, #tpu.memory_space<vmem>>) dst(%dma_wait3A_31 : memref<10240x16xf32, #tpu.memory_space<vmem_shared>>)
        tpu.yield
      }) : () -> ()
    }
    %scan3A_12 = arith.constant 78 : i32
    %convert_element_type3A_13 = arith.extui %lt3A_5 : i1 to i32
    %cond3A_14 = arith.constant 0 : i32
    %cond3A_15 = arith.cmpi ne, %convert_element_type3A_13, %cond3A_14 : i32
    scf.if %cond3A_15 {
      %run_scoped3A = arith.constant 78 : i32
      "tpu.region"() ({
        %run_scoped3A_17 = tpu.sem_alloc : memref<!tpu.dma_semaphore, #tpu.memory_space<semaphore_mem>>
        %dma_start3A = arith.constant 0 : i32
        %dma_start3A_18 = tpu.memref_slice %arg6[%run_scoped3A, %dma_start3A] : memref<79x128xi32, #tpu.memory_space<vmem>> -> memref<1x128xi32, #tpu.memory_space<vmem>>
        %dma_start3A_19 = tpu.memref_squeeze %dma_start3A_18 : memref<1x128xi32, #tpu.memory_space<vmem>> -> memref<128xi32, #tpu.memory_space<vmem>>
        %dma_start3A_20 = arith.constant 0 : i32
        %dma_start3A_21 = arith.constant 0 : i32
        %dma_start3A_22 = tpu.memref_slice %arg8[%dma_start3A_20, %dma_start3A_21] : memref<10240x16xf32, #tpu.memory_space<vmem_shared>> -> memref<10240x16xf32, #tpu.memory_space<vmem_shared>>
        tpu.enqueue_indirect_dma source(%arg7 : memref<128x16xf32, #tpu.memory_space<vmem>>) target(%dma_start3A_22 : memref<10240x16xf32, #tpu.memory_space<vmem_shared>>) offsets(%dma_start3A_19 : memref<128xi32, #tpu.memory_space<vmem>>) semaphore(%run_scoped3A_17 : memref<!tpu.dma_semaphore, #tpu.memory_space<semaphore_mem>>) {add = true}
        %dma_wait3A = arith.constant 0 : i32
        %dma_wait3A_23 = tpu.memref_slice %arg6[%run_scoped3A, %dma_wait3A] : memref<79x128xi32, #tpu.memory_space<vmem>> -> memref<1x128xi32, #tpu.memory_space<vmem>>
        %dma_wait3A_24 = tpu.memref_squeeze %dma_wait3A_23 : memref<1x128xi32, #tpu.memory_space<vmem>> -> memref<128xi32, #tpu.memory_space<vmem>>
        %dma_wait3A_25 = arith.constant 0 : i32
        %dma_wait3A_26 = arith.constant 0 : i32
        %dma_wait3A_27 = tpu.memref_slice %arg8[%dma_wait3A_25, %dma_wait3A_26] : memref<10240x16xf32, #tpu.memory_space<vmem_shared>> -> memref<10240x16xf32, #tpu.memory_space<vmem_shared>>
        tpu.wait_indirect_dma semaphore(%run_scoped3A_17 : memref<!tpu.dma_semaphore, #tpu.memory_space<semaphore_mem>>) src(%arg7 : memref<128x16xf32, #tpu.memory_space<vmem>>) dst(%dma_wait3A_27 : memref<10240x16xf32, #tpu.memory_space<vmem_shared>>)
        tpu.yield
      }) : () -> ()
    } else {
    }
    %barrier3A_16 = arith.constant 0 : index
    tpu.barrier barrier_id(%barrier3A_16)
    "tpu.region"() ({
      %run_scoped3A = tpu.sem_alloc : memref<!tpu.dma_semaphore, #tpu.memory_space<semaphore_mem>>
      %dma_start3A = arith.constant 0 : i32
      %dma_start3A_17 = tpu.memref_slice %arg5[%arg0, %mul3A_7, %dma_start3A] : memref<2x10240x16xf32, #tpu.memory_space<hbm>> -> memref<1x640x16xf32, #tpu.memory_space<hbm>>
      %dma_start3A_18 = tpu.memref_squeeze %dma_start3A_17 : memref<1x640x16xf32, #tpu.memory_space<hbm>> -> memref<640x16xf32, #tpu.memory_space<hbm>>
      %dma_start3A_19 = arith.constant 0 : i32
      %dma_start3A_20 = tpu.memref_slice %arg8[%mul3A_7, %dma_start3A_19] : memref<10240x16xf32, #tpu.memory_space<vmem_shared>> -> memref<640x16xf32, #tpu.memory_space<vmem_shared>>
      tpu.enqueue_dma source(%dma_start3A_20 : memref<640x16xf32, #tpu.memory_space<vmem_shared>>) target(%dma_start3A_18 : memref<640x16xf32, #tpu.memory_space<hbm>>) target_semaphore(%run_scoped3A : memref<!tpu.dma_semaphore, #tpu.memory_space<semaphore_mem>>)
      %dma_wait3A = arith.constant 0 : i32
      %dma_wait3A_21 = tpu.memref_slice %arg5[%arg0, %mul3A_7, %dma_wait3A] : memref<2x10240x16xf32, #tpu.memory_space<hbm>> -> memref<1x640x16xf32, #tpu.memory_space<hbm>>
      %dma_wait3A_22 = tpu.memref_squeeze %dma_wait3A_21 : memref<1x640x16xf32, #tpu.memory_space<hbm>> -> memref<640x16xf32, #tpu.memory_space<hbm>>
      %dma_wait3A_23 = arith.constant 0 : i32
      %dma_wait3A_24 = tpu.memref_slice %arg8[%mul3A_7, %dma_wait3A_23] : memref<10240x16xf32, #tpu.memory_space<vmem_shared>> -> memref<640x16xf32, #tpu.memory_space<vmem_shared>>
      tpu.wait_dma2 semaphore(%run_scoped3A : memref<!tpu.dma_semaphore, #tpu.memory_space<semaphore_mem>>) src(%dma_wait3A_24 : memref<640x16xf32, #tpu.memory_space<vmem_shared>>) dst(%dma_wait3A_22 : memref<640x16xf32, #tpu.memory_space<hbm>>)
      tpu.yield
    }) : () -> ()
    return
  }
}

</mosaic_0001>

<sc_bundles>
// kernel: _deg_partials.3.cloned.1.call-start
scs
__scs_entry_jumppad:
0x0: {  	(pc) =	sbr.rel $0x88, $3  }
0x1: {  	(tag) =	ssettag $0x0;
	lr =	simm.s32 $0x1  }
0x2: {  	[smem:$0x3F9E] =	sst lr;
	_ =	strace $0xD0000000  }
0x3: {  	_ = 	snop  }
0x4: {  	_ = 	snop  }
0x5: {  	_ = 	snop  }
0x6: {  	_ = 	snop  }
0x7: {  	_ = 	snop  }
__scs_overlays_trampoline_lowered:
0x8: {  	[smem:$0x3FAD] =	sst s0  }
0x9: {  	[smem:$0x3FAE] =	sst s1  }
0xa: {  	[smem:$0x3FAF] =	sst s2  }
0xb: {  	[smem:$0x3FB0] =	sst s3  }
0xc: {  	[smem:$0x3FB1] =	sst s4  }
0xd: {  	[smem:$0x3FB2] =	sst s5  }
0xe: {  	[smem:$0x3FB3] =	sst s6  }
0xf: {  	[smem:$0x3FB4] =	sst s7  }
0x10: {  	[smem:$0x3FB5] =	sst s8  }
0x11: {  	[smem:$0x3FB6] =	sst s9;
	s0 =	simm.s32 @!p0 $0x0  }
0x12: {  	s1 =	sld [smem:$0x3F9C];
	s0 =	simm.s32 @p0 $0x1  }
0x13: {  	[smem:$0x3FB7] =	sst s0;
	s0 =	simm.s32 @!p1 $0x0  }
0x14: {  	s2 =	sld [smem:$0x3F9B];
	s0 =	simm.s32 @p1 $0x1  }
0x15: {  	[smem:$0x3FB8] =	sst s0;
	s0 =	simm.s32 @!p2 $0x0  }
0x16: {  	s3 =	sld [smem:$0x3FDB];
	s0 =	simm.s32 @p2 $0x1  }
0x17: {  	s4 =	simm.s32 $0x1BF5;
	[smem:$0x3FBA] =	sst s0  }
0x18: {  	s0 =	sld [smem:$0x3F9D];
	_ =	swait.ge [sflag:s4], $0x0  }
0x19: {  	s7 =	sld [smem:$0x3F9E]  }
0x1a: {  	s8 =	sadd.s32 $0xFFFFE003, lr  }
0x1b: {  	s9 =	sadd.s32 $0xFFFFFEF7, lr;
	s5 =	simm.s32 $0xFFFFFFFF;
	p2 =	slt.u32 s8, $0xFFFFF086  }
0x1c: {  	p1 =	slt.u32 s9, $0xF7A;
	s5 =	simm.s32 @!p2 $0x0  }
0x1d: {  	s5 =	simm.s32 @p1 $0x1;
	p0 =	seq.s32 s7, s2  }
0x1e: {  	s7 =	smul.u32 @!p0 $0xF7A, s2;
	p2 =	seq.s32 @!p0 s5, $0x0  }
0x1f: {  	s9 =	smul.u32 $0xF7A, s1;
	s8 =	simm.s32 @!p0 $0x1BF5;
	p2 =	por !p2, p0  }
0x20: {  	[sflag:s8] =	ssyncset.s32 @!p0 $0xFFFFF086;
	s6 =	sadd.s32 @!p0 s3, s7;
	s7 =	simm.s32 @!p0 $0x108  }
0x21: {  	s3 =	sadd.s32 s3, s9;
	s6 =	sadd.s32 @!p0 $0x88, s6;
	s7 =	simm.s32 @p2 $0x1082  }
0x22: {  	[simem:s7], [sflag:s8] =	dma.local @!p0 [hbm:s6], $0xF7A  }
0x23: {  	s9 =	sor.u32 $0xD0000000, s2;
	s6 =	simm.s32 $0x108;
	_ =	swait.ge @!p0 [sflag:s8], $0x0  }
0x24: {  	s3 =	sadd.s32 $0x88, s3;
	s6 =	simm.s32 @!p1 $0x1082;
	[sflag:s4] =	ssyncset.s32 $0xFFFFF086  }
0x25: {  	[simem:s6], [sflag:s4] =	dma.local [hbm:s3], $0xF7A  }
0x26: {  	[smem:$0x3F9E] =	sst s1;
	(tag) =	ssettag s2;
	_ =	strace s9  }
0x27: {  	s1 =	sld [smem:$0x3FAE]  }
0x28: {  	s2 =	sld [smem:$0x3FAF]  }
0x29: {  	s4 =	sld [smem:$0x3FB1]  }
0x2a: {  	p0 =	seq.s32 s5, $0x0;
	s5 =	sld [smem:$0x3FB2]  }
0x2b: {  	s6 =	sld [smem:$0x3FB3]  }
0x2c: {  	s7 =	sld [smem:$0x3FB4]  }
0x2d: {  	s3 =	simm.s32 $0x108;
	s8 =	sld [smem:$0x3FB5]  }
0x2e: {  	s3 =	simm.s32 @!p0 $0x1082;
	s9 =	sld [smem:$0x3FB6]  }
0x2f: {  	lr =	sadd.s32 s0, s3;
	s0 =	sld [smem:$0x3FAD]  }
0x30: {  	s3 =	sld [smem:$0x3FB0]  }
0x31: {  	[smem:$0x3FB9] =	sst s10  }
0x32: {  	s10 =	sld [smem:$0x3FB7];
	_ =	sdelay $0x3  }
0x33: {  	p0 =	seq.s32 s10, $0x1;
	s10 =	sld [smem:$0x3FB9];
	_ =	sdelay $0x3  }
0x34: {  	[smem:$0x3FB9] =	sst s10  }
0x35: {  	s10 =	sld [smem:$0x3FB8];
	_ =	sdelay $0x3  }
0x36: {  	p1 =	seq.s32 s10, $0x1;
	s10 =	sld [smem:$0x3FB9];
	_ =	sdelay $0x3  }
0x37: {  	[smem:$0x3FB9] =	sst s10  }
0x38: {  	s10 =	sld [smem:$0x3FBA]  }
0x39: {  	_ = 	snop;
	(pc) =	sbr.ind lr, $3  }
0x3a: {  	_ = 	snop  }
0x3b: {  	_ = 	snop  }
0x3c: {  	p2 =	seq.s32 s10, $0x1;
	s10 =	sld [smem:$0x3FB9]  }
0x3d: {  	_ =	shalt  }
0x3e: {  	_ =	shalt  }
0x3f: {  	_ =	shalt  }
0x40: {  	_ =	shalt  }
0x41: {  	_ =	shalt  }
0x42: {  	_ =	shalt  }
0x43: {  	_ =	shalt  }
0x44: {  	_ =	shalt  }
0x45: {  	_ =	shalt  }
0x46: {  	_ =	shalt  }
0x47: {  	_ =	shalt  }
0x48: {  	_ =	shalt  }
0x49: {  	_ =	shalt  }
0x4a: {  	_ =	shalt  }
0x4b: {  	_ =	shalt  }
0x4c: {  	_ =	shalt  }
0x4d: {  	_ =	shalt  }
0x4e: {  	_ =	shalt  }
0x4f: {  	_ =	shalt  }
0x50: {  	_ =	shalt  }
0x51: {  	_ =	shalt  }
0x52: {  	_ =	shalt  }
0x53: {  	_ =	shalt  }
0x54: {  	_ =	shalt  }
0x55: {  	_ =	shalt  }
0x56: {  	_ =	shalt  }
0x57: {  	_ =	shalt  }
0x58: {  	_ =	shalt  }
0x59: {  	_ =	shalt  }
0x5a: {  	_ =	shalt  }
0x5b: {  	_ =	shalt  }
0x5c: {  	_ =	shalt  }
0x5d: {  	_ =	shalt  }
0x5e: {  	_ =	shalt  }
0x5f: {  	_ =	shalt  }
0x60: {  	_ =	shalt  }
0x61: {  	_ =	shalt  }
0x62: {  	_ =	shalt  }
0x63: {  	_ =	shalt  }
0x64: {  	_ =	shalt  }
0x65: {  	_ =	shalt  }
0x66: {  	_ =	shalt  }
0x67: {  	_ =	shalt  }
0x68: {  	_ =	shalt  }
0x69: {  	_ =	shalt  }
0x6a: {  	_ =	shalt  }
0x6b: {  	_ =	shalt  }
0x6c: {  	_ =	shalt  }
0x6d: {  	_ =	shalt  }
0x6e: {  	_ =	shalt  }
0x6f: {  	_ =	shalt  }
0x70: {  	_ =	shalt  }
0x71: {  	_ =	shalt  }
0x72: {  	_ =	shalt  }
0x73: {  	_ =	shalt  }
0x74: {  	_ =	shalt  }
0x75: {  	_ =	shalt  }
0x76: {  	_ =	shalt  }
0x77: {  	_ =	shalt  }
0x78: {  	_ =	shalt  }
0x79: {  	_ =	shalt  }
0x7a: {  	_ =	shalt  }
0x7b: {  	_ =	shalt  }
0x7c: {  	_ =	shalt  }
0x7d: {  	_ =	shalt  }
0x7e: {  	_ =	shalt  }
0x7f: {  	_ =	shalt  }
0x80: {  	_ =	shalt  }
0x81: {  	_ =	shalt  }
0x82: {  	_ =	shalt  }
0x83: {  	_ =	shalt  }
0x84: {  	_ =	shalt  }
0x85: {  	_ =	shalt  }
0x86: {  	_ =	shalt  }
0x87: {  	_ =	shalt  }
.Lfunc_end0:
.L_simem_size_0:
called_computation_lowered:
.L_overlay_start_0:
0x88: {  	s2 =	sld [smem:$0x3FD9]  }
0x89: {  	s3 =	sld [smem:$0x3FFE];
	_ =	sdelay $0x1  }
0x8a: {  	s1 =	srdreg.scid  }
0x8b: {  	s0 =	sand.u32 $0x1, s1  }
0x8c: {  	s17 =	sshll.u32 s0, $0xA;
	s2 =	sadd.s32 s3, s2  }
0x8d: {  	s2 =	sadd.s32 s2, s17  }
0x8e: {  	[smem:$0x3FC5] =	sst s2  }
0x8f: {  	_ = 	snop  }
0x90: {  	s2 =	sld [smem:$0x3FC9]  }
0x91: {  	s18 =	sld [smem:$0x3FD0];
	(tm) =	ssettm $0x1  }
0x92: {  	s4 =	sld [smem:$0x3FFB];
	_ =	sdelay $0x3  }
0x93: {  	_ =	strace s4  }
0x94: {  	s4 =	sld [smem:$0x3FFC];
	_ =	sdelay $0x3  }
0x95: {  	_ =	strace s4  }
0x96: {  	s4 =	sld [smem:$0x3FFD];
	_ =	sdelay $0x3  }
0x97: {  	_ =	strace s4  }
0x98: {  	_ =	strace $0x8FFFFFFF  }
0x99: {  	s19 =	sld [smem:$0x3FDB];
	_ =	sdelay $0x1  }
0x9a: {  	s5 =	simm.s32 $_scs_section_size  }
0x9b: {  	s6 =	simm.s32 $_size__tile_overlayer_lowered;
	s7 =	simm.s32 $_tile_overlayer_lowered  }
0x9c: {  	s22 =	simm.s32 $0x1BFF;
	s21 =	sshll.u32 s7, $0x1;
	s4 =	sadd.s32 s5, s19  }
0x9d: {  	s8 =	simm.s32 $0x0;
	s20 =	sshll.u32 s6, $0x1;
	s6 =	sadd.s32 s21, s4  }
0x9e: {  	[timem:s8], [sflag:s22] =	dma.local [hbm:s6], s20  }
0x9f: {  	_ =	swait.ge [sflag:s22], s20  }
0xa0: {  	s5 =	ssub.s32 $0x0, s20;
	[sflag:s22] =	ssyncset.done $0x0  }
0xa1: {  	[sflag:s22] =	ssyncadd.s32 s5;
	_ =	sdelay $0x1  }
0xa2: {  	s23 =	simm.s32 $0x1B8B  }
0xa3: {  	_ =	swait.ge [sflag:s23], $0x1  }
0xa4: {  	[sflag:s23] =	ssyncset.done $0x0  }
0xa5: {  	s25 =	simm.s32 $0x1B8E;
	s24 =	sld [smem:$0x3FFE];
	[sflag:s23] =	ssyncadd.s32 $0xFFFFFFFF  }
0xa6: {  	s26 =	simm.s32 $execute0_lowered;
	[smem:$0x3FD2] =	sst s25  }
0xa7: {  	s6 =	sshll.u32 s26, $0x1;
	_ =	strace $0x80000046;
	[dreg:$0x1] =	wrdreg $0xFFFFFFFF  }
0xa8: {  	s28 =	simm.s32 $_size_execute0_lowered;
	s4 =	sadd.s32 s4, s6;
	[dreg:$0x0] =	wrdreg $0x0  }
0xa9: {  	s6 =	sshll.u32 s28, $0x1;
	[dreg:$0x2] =	wrdreg s4  }
0xaa: {  	[dreg:$0x3] =	wrdreg s6  }
0xab: {  	[dreg:$0x4] =	wrdreg $0xC0  }
0xac: {  	_ =	task [dreg:s8], $0x5FFFF  }
0xad: {  	[dreg:$0x1] =	wrdreg $0xFFFFFFFF  }
0xae: {  	[dreg:$0x0] =	wrdreg $0x60  }
0xaf: {  	[dreg:$0x2] =	wrdreg s2  }
0xb0: {  	[dreg:$0x3] =	wrdreg s24  }
0xb1: {  	[dreg:$0x4] =	wrdreg s18  }
0xb2: {  	[dreg:$0x5] =	wrdreg $0x2F800  }
0xb3: {  	[dreg:$0x6] =	wrdreg $0x9  }
0xb4: {  	_ =	task.clear_ibuf [dreg:s8], $0x7FFFF;
	_ =	strace $0x90000046  }
0xb5: {  	s29 =	simm.s32 $0x9;
	_ =	strace $0x80000048  }
0xb6: {  	_ =	swait.ge [sflag:s29], $0x1  }
0xb7: {  	[sflag:s29] =	ssyncadd.s32 $0xFFFFFFFF  }
0xb8: {  	_ =	strace $0x90000048  }
0xb9: {  	_ =	sfence  }
0xba: {  	s30 =	sld [smem:$0x0];
	_ =	sdelay $0x2  }
0xbb: {  	s31 =	sshll.u32 s1, $0xD;
	s1 =	sshrl.u32 s1, $0x2  }
0xbc: {  	s3 =	sand.u32 $0x4000, s31;
	s1 =	sadd.s32 s1, s30  }
0xbd: {  	s0 =	sor.u32 s3, s0;
	s1 =	sshll.u32 s1, $0x11  }
0xbe: {  	s0 =	sor.u32 s1, s0  }
0xbf: {  	s0 =	sadd.s32 $0x8F2B, s0  }
0xc0: {  	[sflag:s0] =	ssyncadd.remote.s32 $0x1  }
0xc1: {  	_ =	sfence.sel $0xFFFF  }
0xc2: {  	[dreg:$0x0] =	wrdreg $0xFFFFFFFF;
	(pc) =	sbr.abs _section_cstart, $3  }
0xc3: {  	[dreg:$0x1] =	wrdreg $0xFFFFFFFF  }
0xc4: {  	_ =	task.clear_ibuf [dreg:s8], $0x2FFFF;
	_ =	strace $0x9FFFFFFF  }
0xc5: {  	(tm) =	ssettm $0x7FFFFFFF  }
tec
execute0_lowered:
.L_overlay_start_1:
0x0: {  	(tag) =	ssettag $0x1  }
0x1: {  	s7 =	rddreg [dreg:$0x0]  }
0x2: {  	s5 =	rddreg [dreg:$0x1]  }
0x3: {  	s9 =	rddreg [dreg:$0x2]  }
0x4: {  	s2 =	rddreg [dreg:$0x3]  }
0x5: {  	s0 =	rddreg [dreg:$0x4]  }
0x6: {  	s3 =	simm.s32 $0x0;
	s1 =	stileid.u32;
	s8 =	srdreg.scid  }
0x7: {  	s14 =	simm.s32 $0x80;
	s15 =	simm.s32 $0x0;
	[smem:$0x7FF] =	sst s3  }
0x8: {  	s6 =	smul.u32 $0x2800, s1;
	s4 =	sadd.s32 $0x400, s5;
	s8 =	sand.u32 $0x1, s8  }
0x9: {  	s10 =	sshll.u32 s1, $0x1;
	s30 =	sshll.u32 s1, $0x6;
	p0 =	sgt.u32 s1, $0x1  }
0xa: {  	_ =	strace $0x80000047;
	s12 =	ssub.s32 $0x2, s8;
	s10 =	sor.u32 s8, s10  }
0xb: {  	s8 =	smul.u32 $0x28000, s8;
	s11 =	sshrl.u32 s6, $0x3;
	s28 =	sshrl.u32 s12, $0x1  }
0xc: {  	s13 =	smul.u32 $0x4E, s10;
	s10 =	smin.u32 s10, $0x4;
	s29 =	sadd.s32 s6, s2  }
0xd: {  	s5 =	sadd.s32 s11, s5;
	s11 =	ssub.s32 s12, s28;
	s8 =	sadd.s32 s6, s8  }
0xe: {  	s6 =	sor.u32 $0x1C01, s30;
	s12 =	simm.s32 $0x1;
	s10 =	sadd.s32 s10, s13  }
0xf: {  	s5 =	sadd.s32 $0x600, s5;
	s31 =	sshrl.u32 s8, $0x3;
	s10 =	sshll.u32 s10, $0x4  }
0x10: {  	s13 =	simm.s32 $0x2780;
	s9 =	sadd.s32 s9, s31;
	s7 =	sadd.s32 s7, s10  }
0x11: {  	s10 =	smax.u32 s11, $0x1;
	s11 =	sshrl.u32 s29, $0x3;
	s8 =	sadd.s32 $0x4E0, s7  }
.LBB2_1:
0x12: {  	[spmem:s11], [sflag:s6] =	dma.local [hbm:s5], $0x500  }
0x13: {  	_ =	swait.ge [sflag:s12], $0x500  }
0x14: {  	[sflag:s12] =	ssyncset.done $0x0  }
0x15: {  	[sflag:s12] =	ssyncadd.s32 $0xFFFFFB00  }
0x16: {  	[tilespmem:s13], [sflag:$0x1] =	stream.linear.gather [hbm4b:s4+s3], $0x800, $0x38;
	[tilespmem:$0x5780] =	vst v63  }
0x17: {  	_ =	swait.ge [sflag:s12], $0x800  }
0x18: {  	[sflag:s12] =	ssyncset.done $0x0  }
0x19: {  	[sflag:s12] =	ssyncadd.s32 $0xFFFFF800  }
0x1a: {  	[tilespmem:s3], [sflag:$0x1] =	stream.linear.gather [hbm4b:s7+s3], $0x2700, $0x38;
	[tilespmem:$0x5780] =	vst v63  }
0x1b: {  	_ =	swait.ge [sflag:s12], $0x2700  }
0x1c: {  	[sflag:s12] =	ssyncset.done $0x0  }
0x1d: {  	s16 =	simm.s32 @!p0 $0x0;
	s17 =	simm.s32 @!p0 $0x2700;
	[sflag:s12] =	ssyncadd.s32 $0xFFFFD900  }
0x1e: {  	[tilespmem:s17], [sflag:$0x1] =	stream.linear.gather @!p0 [hbm4b:s8+s16], $0x80, $0x38;
	[tilespmem:$0x5780] =	vst v63  }
0x1f: {  	s16 =	simm.s32 @!p0 $0x1  }
0x20: {  	_ =	swait.ge @!p0 [sflag:s16], $0x80  }
0x21: {  	[sflag:s16] =	ssyncset.done @!p0 $0x0  }
0x22: {  	[sflag:s16] =	ssyncadd.s32 @!p0 $0xFFFFFF80  }
0x23: {  	s31 =	simm.s32 $0x0;
	[bflag:$0x0] =	sbarrier.arrive $0xFFFF  }
0x24: {  	[spmem:s2] =	stream.indirect.scatter.add.f32 [tilespmem:s13], [sflag:$0x1], $0x10, s31, s14, $0xb8;
	[tilespmem:$0x5780] =	vst v63  }
0x25: {  	_ =	swait.ge [sflag:s12], $0x800  }
0x26: {  	s16 =	simm.s32 $0x200;
	[sflag:s12] =	ssyncset.done $0x0  }
.LBB2_2:
0x27: {  	s17 =	sshra.s32 s16, $0x2;
	[sflag:s12] =	ssyncadd.s32 $0xFFFFF800;
	p1 =	sne.s32 s16, $0x9A00  }
0x28: {  	[spmem:s2] =	stream.indirect.scatter.add.f32 [tilespmem:s13], [sflag:$0x1], $0x10, s17, s14, $0xb8;
	[tilespmem:$0x5780] =	vst v63  }
.Ltmp0:
0x29: {  	_ = 	snop;
	(pc) =	sbr.rel @p1 .LBB2_2-.Ltmp0, $4  }
0x2a: {  	_ = 	snop  }
0x2b: {  	s16 =	sadd.s32 $0x200, s16  }
0x2c: {  	_ =	swait.ge [sflag:s12], $0x800  }
0x2d: {  	[sflag:s12] =	ssyncset.done $0x0  }
0x2e: {  	[sflag:s12] =	ssyncadd.s32 $0xFFFFF800  }
0x2f: {  	s16 =	simm.s32 @!p0 $0x80;
	s17 =	simm.s32 @!p0 $0x2700;
	s18 =	simm.s32 @!p0 $0x2780  }
0x30: {  	[spmem:s2] =	stream.indirect.scatter.add.f32 @!p0 [tilespmem:s18], [sflag:$0x1], $0x10, s17, s16, $0xb8;
	[tilespmem:$0x5780] =	vst v63  }
0x31: {  	s16 =	simm.s32 @!p0 $0x1  }
0x32: {  	_ =	swait.ge @!p0 [sflag:s16], $0x800  }
0x33: {  	s15 =	sadd.s32 $0x1, s15;
	[sflag:s16] =	ssyncset.done @!p0 $0x0  }
0x34: {  	p1 =	sne.s32 s15, s10;
	[sflag:s16] =	ssyncadd.s32 @!p0 $0xFFFFF800  }
.Ltmp1:
0x35: {  	[bflag:$0x0] =	sbarrier.arrive $0xFFFF;
	(pc) =	sbr.rel @p1 .LBB2_1-.Ltmp1, $4  }
0x36: {  	[hbm:s9], [sflag:s6] =	dma.local [spmem:s11], $0x500  }
0x37: {  	_ =	swait.ge [sflag:s12], $0x500  }
0x38: {  	[sflag:s12] =	ssyncset.done $0x0  }
0x39: {  	[sflag:s12] =	ssyncadd.s32 $0xFFFFFB00  }
0x3a: {  	_ =	sfence.sel $0x180000  }
0x3b: {  	[bflag:$0x0] =	sbarrier.arrive $0xFFFF  }
0x3c: {  	p0 =	sne.s32 s1, $0x0;
	_ =	strace $0x90000047  }
0x3d: {  	s0 =	sadd.s32 @!p0 $0x100000, s0;
	[bflag:$0x2] =	sbarrier.arrive $0xFFFF  }
0x3e: {  	[sflag:s0] =	ssyncadd.tile.s32 @!p0 $0x1;
	_ =	shalt  }
.Lfunc_end2:
_tile_overlayer_lowered:
.L_overlay_start_2:
0x3f: {  	(tag) =	ssettag $0x2  }
0x40: {  	s0 =	rddreg [dreg:$0x0];
	s2 =	stileid.u32  }
0x41: {  	s1 =	rddreg [dreg:$0x1];
	p0 =	sne.s32 s2, $0x0  }
0x42: {  	s3 =	rddreg [dreg:$0x2];
	[bflag:$0x3] =	sbarrier.arrive $0xFFFF;
	s2 =	simm.s32 @!p0 $0x1C01  }
0x43: {  	[timem:s3], [sflag:s2] =	dma.local @!p0 [hbm:s0], s1  }
0x44: {  	s0 =	simm.s32 @!p0 $0x1  }
0x45: {  	_ =	swait.ge @!p0 [sflag:s0], s1  }
0x46: {  	s1 =	ssub.s32 @!p0 $0x0, s1;
	[sflag:s0] =	ssyncset.done @!p0 $0x0  }
0x47: {  	[sflag:s0] =	ssyncadd.s32 @!p0 s1  }
0x48: {  	[bflag:$0x3] =	sbarrier.arrive $0xFFFF  }
0x49: {  	_ =	shalt  }

</sc_bundles>
